<compile_context>
chip_gen: v7x
topology: tpu7x:2x2x1
jax: 0.10.2.dev20260603
libtpu: 0.0.44.dev20260713+nightly
codegen_flags: <defaults>
</compile_context>

<pallas_src>
import functools
import jax
import jax.numpy as jnp
from jax import lax
from jax.experimental import pallas as pl
from jax.experimental.pallas import tpu as pltpu
from jax.experimental.pallas import tpu_sc as plsc

NUM_CLASSES = 1000
ROWS = 4096
COLS = 26
PCOLS = 32
NBUF = 2


def _sc_onehot(xp_hbm, zeros_hbm, out_hbm, xrow_v, plane_v, sems):
    nc = 2
    ns = 16
    nw = nc * ns
    planes_per_w = ROWS // nw
    ngroups = planes_per_w // NBUF
    wid = lax.axis_index("s") * nc + lax.axis_index("c")
    base = wid * planes_per_w

    for b in range(NBUF):
        pltpu.sync_copy(zeros_hbm, plane_v.at[b])

    ones = jnp.full((16,), 1.0, dtype=jnp.float32)
    zeros16 = jnp.zeros((16,), dtype=jnp.float32)
    row_lo = lax.iota(jnp.int32, 16)
    row_hi = row_lo + 16
    hi_mask = row_lo < (COLS - 16)

    def scatter(b, vals):
        idx_lo = xrow_v[b, pl.ds(0, 16)]
        idx_hi = xrow_v[b, pl.ds(16, 16)]
        plsc.store_scatter(plane_v.at[b], [row_lo, idx_lo], vals)
        plsc.store_scatter(plane_v.at[b], [row_hi, idx_hi], vals, mask=hi_mask)

    def group(g, carry):
        for b in range(NBUF):
            i = g * NBUF + b
            p = base + i

            @pl.when(g > 0)
            def _recycle():
                pltpu.make_async_copy(
                    plane_v.at[b], out_hbm.at[p - NBUF], sems.at[b]
                ).wait()
                scatter(b, zeros16)

            pltpu.sync_copy(xp_hbm.at[p], xrow_v.at[b])
            scatter(b, ones)
            pltpu.make_async_copy(
                plane_v.at[b], out_hbm.at[p], sems.at[b]
            ).start()
        return carry

    lax.fori_loop(0, ngroups, group, 0)

    for b in range(NBUF):
        p = base + (ngroups - 1) * NBUF + b
        pltpu.make_async_copy(
            plane_v.at[b], out_hbm.at[p], sems.at[b]
        ).wait()


def kernel(x):
    xi = x.astype(jnp.int32)
    xp = jnp.pad(xi, ((0, 0), (0, PCOLS - COLS)), constant_values=0)
    zeros = jnp.zeros((COLS, NUM_CLASSES), jnp.float32)
    mesh = plsc.VectorSubcoreMesh(core_axis_name="c", subcore_axis_name="s")
    k = functools.partial(
        pl.kernel,
        mesh=mesh,
        out_type=jax.ShapeDtypeStruct((ROWS, COLS, NUM_CLASSES), jnp.float32),
        scratch_types=[
            pltpu.VMEM((NBUF, PCOLS), jnp.int32),
            pltpu.VMEM((NBUF, COLS, NUM_CLASSES), jnp.float32),
            pltpu.SemaphoreType.DMA((NBUF,)),
        ],
        compiler_params=pltpu.CompilerParams(needs_layout_passes=False),
    )(_sc_onehot)
    return k(xp, zeros)

# --- scband reference (transcript-rebuilt; emitter-appended) ---
"""Pipeline reference for scband-one-hot-layer-4664334483489 (READ-ONLY COPY).

The authoritative reference and input builder live on the scoring server;
editing this copy changes nothing except your own understanding.
"""

import jax, jax.numpy as jnp
import numpy as np

NUM_CLASSES = 1000

def setup_inputs(seed: int = 0) -> dict:
    key = jax.random.key(seed)
    x = jax.random.randint(key, (4096, 26), 0, NUM_CLASSES, dtype=jnp.int64)
    return {"x": x}

def reference(x) -> jnp.ndarray:
    # Faithful translation of F.one_hot(x.to(int64), num_classes).float()
    x_onehot = jax.nn.one_hot(x.astype(jnp.int64), NUM_CLASSES, dtype=jnp.float32)
    return x_onehot

if __name__ == "__main__":
    import jax
    _d = setup_inputs()
    print(jax.jit(kernel)(*tuple(_d.values())))

</pallas_src>

<mosaic_0001>
#map = affine_map<(d0, d1) -> (0, 0)>
#map1 = affine_map<(d0, d1) -> (0, 0, 0)>
module attributes {stable_mosaic.version = 14 : i64} {
  func.func @_sc_onehot(%arg0: i32, %arg1: i32, %arg2: memref<4096x32xi32, #tpu.memory_space<hbm>>, %arg3: memref<26x1000xf32, #tpu.memory_space<hbm>>, %arg4: memref<4096x26x1000xf32, #tpu.memory_space<hbm>>, %arg5: memref<2x32xi32, #tpu.memory_space<vmem>>, %arg6: memref<2x26x1000xf32, #tpu.memory_space<vmem>>, %arg7: memref<2x!tpu.dma_semaphore, #tpu.memory_space<semaphore_mem>>) attributes {dimension_semantics = [#tpu.dimension_semantics<core_parallel>, #tpu.dimension_semantics<subcore_parallel>], iteration_bounds = array<i64: 2, 16>, scalar_prefetch = 0 : i64, scratch_operands = 3 : i64, tpu.core_type = #tpu.core_type<sc_vector_subcore>, window_params = [{transform_indices = #map}, {transform_indices = #map}, {transform_indices = #map1}]} {
    %mul3A = arith.constant 2 : i32
    %mul3A_0 = arith.muli %arg1, %mul3A : i32
    %add3A = arith.addi %mul3A_0, %arg0 : i32
    %mul3A_1 = arith.constant 128 : i32
    %mul3A_2 = arith.muli %add3A, %mul3A_1 : i32
    %run_scoped3A = arith.constant 0 : i32
    "tpu.region"() ({
      %run_scoped3A_64 = tpu.sem_alloc : memref<!tpu.dma_semaphore, #tpu.memory_space<semaphore_mem>>
      %dma_start3A = arith.constant 0 : i32
      %dma_start3A_65 = arith.constant 0 : i32
      %dma_start3A_66 = tpu.memref_slice %arg6[%run_scoped3A, %dma_start3A, %dma_start3A_65] : memref<2x26x1000xf32, #tpu.memory_space<vmem>> -> memref<1x26x1000xf32, #tpu.memory_space<vmem>>
      %dma_start3A_67 = tpu.memref_squeeze %dma_start3A_66 : memref<1x26x1000xf32, #tpu.memory_space<vmem>> -> memref<26x1000xf32, #tpu.memory_space<vmem>>
      %dma_start3A_68 = arith.constant 0 : i32
      %dma_start3A_69 = arith.constant 0 : i32
      %dma_start3A_70 = tpu.memref_slice %arg6[%run_scoped3A, %dma_start3A_68, %dma_start3A_69] : memref<2x26x1000xf32, #tpu.memory_space<vmem>> -> memref<1x26x1000xf32, #tpu.memory_space<vmem>>
      %dma_start3A_71 = tpu.memref_squeeze %dma_start3A_70 : memref<1x26x1000xf32, #tpu.memory_space<vmem>> -> memref<26x1000xf32, #tpu.memory_space<vmem>>
      tpu.enqueue_dma source(%arg3 : memref<26x1000xf32, #tpu.memory_space<hbm>>) target(%dma_start3A_71 : memref<26x1000xf32, #tpu.memory_space<vmem>>) target_semaphore(%run_scoped3A_64 : memref<!tpu.dma_semaphore, #tpu.memory_space<semaphore_mem>>)
      %dma_wait3A_72 = arith.constant 0 : i32
      %dma_wait3A_73 = arith.constant 0 : i32
      %dma_wait3A_74 = tpu.memref_slice %arg6[%run_scoped3A, %dma_wait3A_72, %dma_wait3A_73] : memref<2x26x1000xf32, #tpu.memory_space<vmem>> -> memref<1x26x1000xf32, #tpu.memory_space<vmem>>
      %dma_wait3A_75 = tpu.memref_squeeze %dma_wait3A_74 : memref<1x26x1000xf32, #tpu.memory_space<vmem>> -> memref<26x1000xf32, #tpu.memory_space<vmem>>
      %dma_wait3A_76 = arith.constant 0 : i32
      %dma_wait3A_77 = arith.constant 0 : i32
      %dma_wait3A_78 = tpu.memref_slice %arg6[%run_scoped3A, %dma_wait3A_76, %dma_wait3A_77] : memref<2x26x1000xf32, #tpu.memory_space<vmem>> -> memref<1x26x1000xf32, #tpu.memory_space<vmem>>
      %dma_wait3A_79 = tpu.memref_squeeze %dma_wait3A_78 : memref<1x26x1000xf32, #tpu.memory_space<vmem>> -> memref<26x1000xf32, #tpu.memory_space<vmem>>
      tpu.wait_dma2 semaphore(%run_scoped3A_64 : memref<!tpu.dma_semaphore, #tpu.memory_space<semaphore_mem>>) src(%arg3 : memref<26x1000xf32, #tpu.memory_space<hbm>>) dst(%dma_wait3A_79 : memref<26x1000xf32, #tpu.memory_space<vmem>>)
      tpu.yield
    }) : () -> ()
    %run_scoped3A_3 = arith.constant 1 : i32
    "tpu.region"() ({
      %run_scoped3A_64 = tpu.sem_alloc : memref<!tpu.dma_semaphore, #tpu.memory_space<semaphore_mem>>
      %dma_start3A = arith.constant 0 : i32
      %dma_start3A_65 = arith.constant 0 : i32
      %dma_start3A_66 = tpu.memref_slice %arg6[%run_scoped3A_3, %dma_start3A, %dma_start3A_65] : memref<2x26x1000xf32, #tpu.memory_space<vmem>> -> memref<1x26x1000xf32, #tpu.memory_space<vmem>>
      %dma_start3A_67 = tpu.memref_squeeze %dma_start3A_66 : memref<1x26x1000xf32, #tpu.memory_space<vmem>> -> memref<26x1000xf32, #tpu.memory_space<vmem>>
      %dma_start3A_68 = arith.constant 0 : i32
      %dma_start3A_69 = arith.constant 0 : i32
      %dma_start3A_70 = tpu.memref_slice %arg6[%run_scoped3A_3, %dma_start3A_68, %dma_start3A_69] : memref<2x26x1000xf32, #tpu.memory_space<vmem>> -> memref<1x26x1000xf32, #tpu.memory_space<vmem>>
      %dma_start3A_71 = tpu.memref_squeeze %dma_start3A_70 : memref<1x26x1000xf32, #tpu.memory_space<vmem>> -> memref<26x1000xf32, #tpu.memory_space<vmem>>
      tpu.enqueue_dma source(%arg3 : memref<26x1000xf32, #tpu.memory_space<hbm>>) target(%dma_start3A_71 : memref<26x1000xf32, #tpu.memory_space<vmem>>) target_semaphore(%run_scoped3A_64 : memref<!tpu.dma_semaphore, #tpu.memory_space<semaphore_mem>>)
      %dma_wait3A_72 = arith.constant 0 : i32
      %dma_wait3A_73 = arith.constant 0 : i32
      %dma_wait3A_74 = tpu.memref_slice %arg6[%run_scoped3A_3, %dma_wait3A_72, %dma_wait3A_73] : memref<2x26x1000xf32, #tpu.memory_space<vmem>> -> memref<1x26x1000xf32, #tpu.memory_space<vmem>>
      %dma_wait3A_75 = tpu.memref_squeeze %dma_wait3A_74 : memref<1x26x1000xf32, #tpu.memory_space<vmem>> -> memref<26x1000xf32, #tpu.memory_space<vmem>>
      %dma_wait3A_76 = arith.constant 0 : i32
      %dma_wait3A_77 = arith.constant 0 : i32
      %dma_wait3A_78 = tpu.memref_slice %arg6[%run_scoped3A_3, %dma_wait3A_76, %dma_wait3A_77] : memref<2x26x1000xf32, #tpu.memory_space<vmem>> -> memref<1x26x1000xf32, #tpu.memory_space<vmem>>
      %dma_wait3A_79 = tpu.memref_squeeze %dma_wait3A_78 : memref<1x26x1000xf32, #tpu.memory_space<vmem>> -> memref<26x1000xf32, #tpu.memory_space<vmem>>
      tpu.wait_dma2 semaphore(%run_scoped3A_64 : memref<!tpu.dma_semaphore, #tpu.memory_space<semaphore_mem>>) src(%arg3 : memref<26x1000xf32, #tpu.memory_space<hbm>>) dst(%dma_wait3A_79 : memref<26x1000xf32, #tpu.memory_space<vmem>>)
      tpu.yield
    }) : () -> ()
    %broadcast_in_dim3A = arith.constant 1.000000e+00 : f32
    %broadcast_in_dim3A_4 = vector.broadcast %broadcast_in_dim3A : f32 to vector<16xf32>
    %broadcast_in_dim3A_5 = arith.constant 0.000000e+00 : f32
    %broadcast_in_dim3A_6 = vector.broadcast %broadcast_in_dim3A_5 : f32 to vector<16xf32>
    %iota3A = tpu.iota {dimensions = array<i32: 0>} : vector<16xi32>
    %add3A_7 = arith.constant 16 : i32
    %add3A_8 = vector.broadcast %add3A_7 : i32 to vector<16xi32>
    %add3A_9 = arith.addi %iota3A, %add3A_8 : vector<16xi32>
    %lt3A = arith.constant 10 : i32
    %lt3A_10 = vector.broadcast %lt3A : i32 to vector<16xi32>
    %lt3A_11 = arith.cmpi slt, %iota3A, %lt3A_10 : vector<16xi32>
    %scan3A = arith.constant 0 : i32
    %scan3A_12 = arith.constant 0 : i32
    %scan3A_13 = arith.constant 64 : i32
    %scan3A_14 = arith.addi %scan3A_12, %scan3A_13 : i32
    %scan3A_15 = arith.constant 1 : i32
    scf.for %scan3A_64 = %scan3A_12 to %scan3A_14 step %scan3A_15  : i32 {
      %mul3A_65 = arith.constant 2 : i32
      %mul3A_66 = arith.muli %scan3A_64, %mul3A_65 : i32
      %add3A_67 = arith.constant 0 : i32
      %add3A_68 = arith.addi %mul3A_66, %add3A_67 : i32
      %add3A_69 = arith.addi %mul3A_2, %add3A_68 : i32
      %gt3A = arith.constant 0 : i32
      %gt3A_70 = arith.cmpi sgt, %scan3A_64, %gt3A : i32
      %convert_element_type3A = arith.extui %gt3A_70 : i1 to i32
      %cond3A = arith.constant 0 : i32
      %cond3A_71 = arith.cmpi ne, %convert_element_type3A, %cond3A : i32
      scf.if %cond3A_71 {
        %sub3A = arith.constant 2 : i32
        %sub3A_157 = arith.subi %add3A_69, %sub3A : i32
        %dma_wait3A_158 = arith.constant 0 : i32
        %dma_wait3A_159 = arith.constant 0 : i32
        %dma_wait3A_160 = arith.constant 0 : i32
        %dma_wait3A_161 = arith.constant 0 : i32
        %dma_wait3A_162 = tpu.memref_slice %arg6[%dma_wait3A_158, %dma_wait3A_160, %dma_wait3A_161] : memref<2x26x1000xf32, #tpu.memory_space<vmem>> -> memref<1x26x1000xf32, #tpu.memory_space<vmem>>
        %dma_wait3A_163 = tpu.memref_squeeze %dma_wait3A_162 : memref<1x26x1000xf32, #tpu.memory_space<vmem>> -> memref<26x1000xf32, #tpu.memory_space<vmem>>
        %dma_wait3A_164 = arith.constant 0 : i32
        %dma_wait3A_165 = arith.constant 0 : i32
        %dma_wait3A_166 = tpu.memref_slice %arg4[%sub3A_157, %dma_wait3A_164, %dma_wait3A_165] : memref<4096x26x1000xf32, #tpu.memory_space<hbm>> -> memref<1x26x1000xf32, #tpu.memory_space<hbm>>
        %dma_wait3A_167 = tpu.memref_squeeze %dma_wait3A_166 : memref<1x26x1000xf32, #tpu.memory_space<hbm>> -> memref<26x1000xf32, #tpu.memory_space<hbm>>
        %dma_wait3A_168 = tpu.memref_slice %arg7[%dma_wait3A_159] : memref<2x!tpu.dma_semaphore, #tpu.memory_space<semaphore_mem>> -> memref<1x!tpu.dma_semaphore, #tpu.memory_space<semaphore_mem>>
        %dma_wait3A_169 = tpu.memref_squeeze %dma_wait3A_168 : memref<1x!tpu.dma_semaphore, #tpu.memory_space<semaphore_mem>> -> memref<!tpu.dma_semaphore, #tpu.memory_space<semaphore_mem>>
        %dma_wait3A_170 = arith.constant 0 : i32
        %dma_wait3A_171 = arith.constant 0 : i32
        %dma_wait3A_172 = tpu.memref_slice %arg4[%sub3A_157, %dma_wait3A_170, %dma_wait3A_171] : memref<4096x26x1000xf32, #tpu.memory_space<hbm>> -> memref<1x26x1000xf32, #tpu.memory_space<hbm>>
        %dma_wait3A_173 = tpu.memref_squeeze %dma_wait3A_172 : memref<1x26x1000xf32, #tpu.memory_space<hbm>> -> memref<26x1000xf32, #tpu.memory_space<hbm>>
        %dma_wait3A_174 = arith.constant 0 : i32
        %dma_wait3A_175 = arith.constant 0 : i32
        %dma_wait3A_176 = tpu.memref_slice %arg6[%dma_wait3A_158, %dma_wait3A_174, %dma_wait3A_175] : memref<2x26x1000xf32, #tpu.memory_space<vmem>> -> memref<1x26x1000xf32, #tpu.memory_space<vmem>>
        %dma_wait3A_177 = tpu.memref_squeeze %dma_wait3A_176 : memref<1x26x1000xf32, #tpu.memory_space<vmem>> -> memref<26x1000xf32, #tpu.memory_space<vmem>>
        tpu.wait_dma2 semaphore(%dma_wait3A_169 : memref<!tpu.dma_semaphore, #tpu.memory_space<semaphore_mem>>) src(%dma_wait3A_177 : memref<26x1000xf32, #tpu.memory_space<vmem>>) dst(%dma_wait3A_173 : memref<26x1000xf32, #tpu.memory_space<hbm>>)
        %get3A_178 = arith.constant 0 : i32
        %get3A_179 = arith.index_cast %get3A_178 : i32 to index
        %get3A_180 = arith.constant 0 : index
        %get3A_181 = tpu.vector_load %arg5[%get3A_179, %get3A_180] {strides = array<i32>} : memref<2x32xi32, #tpu.memory_space<vmem>>, vector<16xi32>,
        %get3A_182 = arith.constant 0 : i32
        %get3A_183 = arith.index_cast %get3A_182 : i32 to index
        %get3A_184 = arith.constant 16 : index
        %get3A_185 = tpu.vector_load %arg5[%get3A_183, %get3A_184] {strides = array<i32>} : memref<2x32xi32, #tpu.memory_space<vmem>>, vector<16xi32>,
        %scatter3A_186 = arith.constant 0 : i32
        %scatter3A_187 = arith.constant 0 : i32
        %scatter3A_188 = arith.constant 0 : i32
        %scatter3A_189 = tpu.memref_slice %arg6[%scatter3A_186, %scatter3A_187, %scatter3A_188] : memref<2x26x1000xf32, #tpu.memory_space<vmem>> -> memref<1x26x1000xf32, #tpu.memory_space<vmem>>
        %scatter3A_190 = tpu.memref_squeeze %scatter3A_189 : memref<1x26x1000xf32, #tpu.memory_space<vmem>> -> memref<26x1000xf32, #tpu.memory_space<vmem>>
        tpu.vector_store_idx %scatter3A_190[%iota3A, %get3A_181], %broadcast_in_dim3A_6 : memref<26x1000xf32, #tpu.memory_space<vmem>>[vector<16xi32>, vector<16xi32>], vector<16xf32>,
        %scatter3A_191 = arith.constant 0 : i32
        %scatter3A_192 = arith.constant 0 : i32
        %scatter3A_193 = arith.constant 0 : i32
        %scatter3A_194 = tpu.memref_slice %arg6[%scatter3A_191, %scatter3A_192, %scatter3A_193] : memref<2x26x1000xf32, #tpu.memory_space<vmem>> -> memref<1x26x1000xf32, #tpu.memory_space<vmem>>
        %scatter3A_195 = tpu.memref_squeeze %scatter3A_194 : memref<1x26x1000xf32, #tpu.memory_space<vmem>> -> memref<26x1000xf32, #tpu.memory_space<vmem>>
        tpu.vector_store_idx %scatter3A_195[%add3A_9, %get3A_185], %broadcast_in_dim3A_6 masked %lt3A_11 : memref<26x1000xf32, #tpu.memory_space<vmem>>[vector<16xi32>, vector<16xi32>], vector<16xf32>, vector<16xi1>
      } else {
      }
      %run_scoped3A_72 = arith.constant 0 : i32
      "tpu.region"() ({
        %run_scoped3A_157 = tpu.sem_alloc : memref<!tpu.dma_semaphore, #tpu.memory_space<semaphore_mem>>
        %dma_start3A_158 = arith.constant 0 : i32
        %dma_start3A_159 = tpu.memref_slice %arg5[%run_scoped3A_72, %dma_start3A_158] : memref<2x32xi32, #tpu.memory_space<vmem>> -> memref<1x32xi32, #tpu.memory_space<vmem>>
        %dma_start3A_160 = tpu.memref_squeeze %dma_start3A_159 : memref<1x32xi32, #tpu.memory_space<vmem>> -> memref<32xi32, #tpu.memory_space<vmem>>
        %dma_start3A_161 = arith.constant 0 : i32
        %dma_start3A_162 = tpu.memref_slice %arg2[%add3A_69, %dma_start3A_161] : memref<4096x32xi32, #tpu.memory_space<hbm>> -> memref<1x32xi32, #tpu.memory_space<hbm>>
        %dma_start3A_163 = tpu.memref_squeeze %dma_start3A_162 : memref<1x32xi32, #tpu.memory_space<hbm>> -> memref<32xi32, #tpu.memory_space<hbm>>
        %dma_start3A_164 = arith.constant 0 : i32
        %dma_start3A_165 = tpu.memref_slice %arg5[%run_scoped3A_72, %dma_start3A_164] : memref<2x32xi32, #tpu.memory_space<vmem>> -> memref<1x32xi32, #tpu.memory_space<vmem>>
        %dma_start3A_166 = tpu.memref_squeeze %dma_start3A_165 : memref<1x32xi32, #tpu.memory_space<vmem>> -> memref<32xi32, #tpu.memory_space<vmem>>
        %dma_start3A_167 = arith.constant 0 : i32
        %dma_start3A_168 = tpu.memref_slice %arg2[%add3A_69, %dma_start3A_167] : memref<4096x32xi32, #tpu.memory_space<hbm>> -> memref<1x32xi32, #tpu.memory_space<hbm>>
        %dma_start3A_169 = tpu.memref_squeeze %dma_start3A_168 : memref<1x32xi32, #tpu.memory_space<hbm>> -> memref<32xi32, #tpu.memory_space<hbm>>
        tpu.enqueue_dma source(%dma_start3A_169 : memref<32xi32, #tpu.memory_space<hbm>>) target(%dma_start3A_166 : memref<32xi32, #tpu.memory_space<vmem>>) target_semaphore(%run_scoped3A_157 : memref<!tpu.dma_semaphore, #tpu.memory_space<semaphore_mem>>)
        %dma_wait3A_170 = arith.constant 0 : i32
        %dma_wait3A_171 = tpu.memref_slice %arg5[%run_scoped3A_72, %dma_wait3A_170] : memref<2x32xi32, #tpu.memory_space<vmem>> -> memref<1x32xi32, #tpu.memory_space<vmem>>
        %dma_wait3A_172 = tpu.memref_squeeze %dma_wait3A_171 : memref<1x32xi32, #tpu.memory_space<vmem>> -> memref<32xi32, #tpu.memory_space<vmem>>
        %dma_wait3A_173 = arith.constant 0 : i32
        %dma_wait3A_174 = tpu.memref_slice %arg2[%add3A_69, %dma_wait3A_173] : memref<4096x32xi32, #tpu.memory_space<hbm>> -> memref<1x32xi32, #tpu.memory_space<hbm>>
        %dma_wait3A_175 = tpu.memref_squeeze %dma_wait3A_174 : memref<1x32xi32, #tpu.memory_space<hbm>> -> memref<32xi32, #tpu.memory_space<hbm>>
        %dma_wait3A_176 = arith.constant 0 : i32
        %dma_wait3A_177 = tpu.memref_slice %arg5[%run_scoped3A_72, %dma_wait3A_176] : memref<2x32xi32, #tpu.memory_space<vmem>> -> memref<1x32xi32, #tpu.memory_space<vmem>>
        %dma_wait3A_178 = tpu.memref_squeeze %dma_wait3A_177 : memref<1x32xi32, #tpu.memory_space<vmem>> -> memref<32xi32, #tpu.memory_space<vmem>>
        %dma_wait3A_179 = arith.constant 0 : i32
        %dma_wait3A_180 = tpu.memref_slice %arg2[%add3A_69, %dma_wait3A_179] : memref<4096x32xi32, #tpu.memory_space<hbm>> -> memref<1x32xi32, #tpu.memory_space<hbm>>
        %dma_wait3A_181 = tpu.memref_squeeze %dma_wait3A_180 : memref<1x32xi32, #tpu.memory_space<hbm>> -> memref<32xi32, #tpu.memory_space<hbm>>
        tpu.wait_dma2 semaphore(%run_scoped3A_157 : memref<!tpu.dma_semaphore, #tpu.memory_space<semaphore_mem>>) src(%dma_wait3A_181 : memref<32xi32, #tpu.memory_space<hbm>>) dst(%dma_wait3A_178 : memref<32xi32, #tpu.memory_space<vmem>>)
        tpu.yield
      }) : () -> ()
      %get3A = arith.constant 0 : i32
      %get3A_73 = arith.index_cast %get3A : i32 to index
      %get3A_74 = arith.constant 0 : index
      %get3A_75 = tpu.vector_load %arg5[%get3A_73, %get3A_74] {strides = array<i32>} : memref<2x32xi32, #tpu.memory_space<vmem>>, vector<16xi32>,
      %get3A_76 = arith.constant 0 : i32
      %get3A_77 = arith.index_cast %get3A_76 : i32 to index
      %get3A_78 = arith.constant 16 : index
      %get3A_79 = tpu.vector_load %arg5[%get3A_77, %get3A_78] {strides = array<i32>} : memref<2x32xi32, #tpu.memory_space<vmem>>, vector<16xi32>,
      %scatter3A = arith.constant 0 : i32
      %scatter3A_80 = arith.constant 0 : i32
      %scatter3A_81 = arith.constant 0 : i32
      %scatter3A_82 = tpu.memref_slice %arg6[%scatter3A, %scatter3A_80, %scatter3A_81] : memref<2x26x1000xf32, #tpu.memory_space<vmem>> -> memref<1x26x1000xf32, #tpu.memory_space<vmem>>
      %scatter3A_83 = tpu.memref_squeeze %scatter3A_82 : memref<1x26x1000xf32, #tpu.memory_space<vmem>> -> memref<26x1000xf32, #tpu.memory_space<vmem>>
      tpu.vector_store_idx %scatter3A_83[%iota3A, %get3A_75], %broadcast_in_dim3A_4 : memref<26x1000xf32, #tpu.memory_space<vmem>>[vector<16xi32>, vector<16xi32>], vector<16xf32>,
      %scatter3A_84 = arith.constant 0 : i32
      %scatter3A_85 = arith.constant 0 : i32
      %scatter3A_86 = arith.constant 0 : i32
      %scatter3A_87 = tpu.memref_slice %arg6[%scatter3A_84, %scatter3A_85, %scatter3A_86] : memref<2x26x1000xf32, #tpu.memory_space<vmem>> -> memref<1x26x1000xf32, #tpu.memory_space<vmem>>
      %scatter3A_88 = tpu.memref_squeeze %scatter3A_87 : memref<1x26x1000xf32, #tpu.memory_space<vmem>> -> memref<26x1000xf32, #tpu.memory_space<vmem>>
      tpu.vector_store_idx %scatter3A_88[%add3A_9, %get3A_79], %broadcast_in_dim3A_4 masked %lt3A_11 : memref<26x1000xf32, #tpu.memory_space<vmem>>[vector<16xi32>, vector<16xi32>], vector<16xf32>, vector<16xi1>
      %dma_start3A = arith.constant 0 : i32
      %dma_start3A_89 = arith.constant 0 : i32
      %dma_start3A_90 = arith.constant 0 : i32
      %dma_start3A_91 = arith.constant 0 : i32
      %dma_start3A_92 = tpu.memref_slice %arg6[%dma_start3A, %dma_start3A_90, %dma_start3A_91] : memref<2x26x1000xf32, #tpu.memory_space<vmem>> -> memref<1x26x1000xf32, #tpu.memory_space<vmem>>
      %dma_start3A_93 = tpu.memref_squeeze %dma_start3A_92 : memref<1x26x1000xf32, #tpu.memory_space<vmem>> -> memref<26x1000xf32, #tpu.memory_space<vmem>>
      %dma_start3A_94 = arith.constant 0 : i32
      %dma_start3A_95 = arith.constant 0 : i32
      %dma_start3A_96 = tpu.memref_slice %arg4[%add3A_69, %dma_start3A_94, %dma_start3A_95] : memref<4096x26x1000xf32, #tpu.memory_space<hbm>> -> memref<1x26x1000xf32, #tpu.memory_space<hbm>>
      %dma_start3A_97 = tpu.memref_squeeze %dma_start3A_96 : memref<1x26x1000xf32, #tpu.memory_space<hbm>> -> memref<26x1000xf32, #tpu.memory_space<hbm>>
      %dma_start3A_98 = tpu.memref_slice %arg7[%dma_start3A_89] : memref<2x!tpu.dma_semaphore, #tpu.memory_space<semaphore_mem>> -> memref<1x!tpu.dma_semaphore, #tpu.memory_space<semaphore_mem>>
      %dma_start3A_99 = tpu.memref_squeeze %dma_start3A_98 : memref<1x!tpu.dma_semaphore, #tpu.memory_space<semaphore_mem>> -> memref<!tpu.dma_semaphore, #tpu.memory_space<semaphore_mem>>
      %dma_start3A_100 = arith.constant 0 : i32
      %dma_start3A_101 = arith.constant 0 : i32
      %dma_start3A_102 = tpu.memref_slice %arg4[%add3A_69, %dma_start3A_100, %dma_start3A_101] : memref<4096x26x1000xf32, #tpu.memory_space<hbm>> -> memref<1x26x1000xf32, #tpu.memory_space<hbm>>
      %dma_start3A_103 = tpu.memref_squeeze %dma_start3A_102 : memref<1x26x1000xf32, #tpu.memory_space<hbm>> -> memref<26x1000xf32, #tpu.memory_space<hbm>>
      %dma_start3A_104 = arith.constant 0 : i32
      %dma_start3A_105 = arith.constant 0 : i32
      %dma_start3A_106 = tpu.memref_slice %arg6[%dma_start3A, %dma_start3A_104, %dma_start3A_105] : memref<2x26x1000xf32, #tpu.memory_space<vmem>> -> memref<1x26x1000xf32, #tpu.memory_space<vmem>>
      %dma_start3A_107 = tpu.memref_squeeze %dma_start3A_106 : memref<1x26x1000xf32, #tpu.memory_space<vmem>> -> memref<26x1000xf32, #tpu.memory_space<vmem>>
      tpu.enqueue_dma source(%dma_start3A_107 : memref<26x1000xf32, #tpu.memory_space<vmem>>) target(%dma_start3A_103 : memref<26x1000xf32, #tpu.memory_space<hbm>>) target_semaphore(%dma_start3A_99 : memref<!tpu.dma_semaphore, #tpu.memory_space<semaphore_mem>>)
      %mul3A_108 = arith.constant 2 : i32
      %mul3A_109 = arith.muli %scan3A_64, %mul3A_108 : i32
      %add3A_110 = arith.constant 1 : i32
      %add3A_111 = arith.addi %mul3A_109, %add3A_110 : i32
      %add3A_112 = arith.addi %mul3A_2, %add3A_111 : i32
      %gt3A_113 = arith.constant 0 : i32
      %gt3A_114 = arith.cmpi sgt, %scan3A_64, %gt3A_113 : i32
      %convert_element_type3A_115 = arith.extui %gt3A_114 : i1 to i32
      %cond3A_116 = arith.constant 0 : i32
      %cond3A_117 = arith.cmpi ne, %convert_element_type3A_115, %cond3A_116 : i32
      scf.if %cond3A_117 {
        %sub3A = arith.constant 2 : i32
        %sub3A_157 = arith.subi %add3A_112, %sub3A : i32
        %dma_wait3A_158 = arith.constant 1 : i32
        %dma_wait3A_159 = arith.constant 1 : i32
        %dma_wait3A_160 = arith.constant 0 : i32
        %dma_wait3A_161 = arith.constant 0 : i32
        %dma_wait3A_162 = tpu.memref_slice %arg6[%dma_wait3A_158, %dma_wait3A_160, %dma_wait3A_161] : memref<2x26x1000xf32, #tpu.memory_space<vmem>> -> memref<1x26x1000xf32, #tpu.memory_space<vmem>>
        %dma_wait3A_163 = tpu.memref_squeeze %dma_wait3A_162 : memref<1x26x1000xf32, #tpu.memory_space<vmem>> -> memref<26x1000xf32, #tpu.memory_space<vmem>>
        %dma_wait3A_164 = arith.constant 0 : i32
        %dma_wait3A_165 = arith.constant 0 : i32
        %dma_wait3A_166 = tpu.memref_slice %arg4[%sub3A_157, %dma_wait3A_164, %dma_wait3A_165] : memref<4096x26x1000xf32, #tpu.memory_space<hbm>> -> memref<1x26x1000xf32, #tpu.memory_space<hbm>>
        %dma_wait3A_167 = tpu.memref_squeeze %dma_wait3A_166 : memref<1x26x1000xf32, #tpu.memory_space<hbm>> -> memref<26x1000xf32, #tpu.memory_space<hbm>>
        %dma_wait3A_168 = tpu.memref_slice %arg7[%dma_wait3A_159] : memref<2x!tpu.dma_semaphore, #tpu.memory_space<semaphore_mem>> -> memref<1x!tpu.dma_semaphore, #tpu.memory_space<semaphore_mem>>
        %dma_wait3A_169 = tpu.memref_squeeze %dma_wait3A_168 : memref<1x!tpu.dma_semaphore, #tpu.memory_space<semaphore_mem>> -> memref<!tpu.dma_semaphore, #tpu.memory_space<semaphore_mem>>
        %dma_wait3A_170 = arith.constant 0 : i32
        %dma_wait3A_171 = arith.constant 0 : i32
        %dma_wait3A_172 = tpu.memref_slice %arg4[%sub3A_157, %dma_wait3A_170, %dma_wait3A_171] : memref<4096x26x1000xf32, #tpu.memory_space<hbm>> -> memref<1x26x1000xf32, #tpu.memory_space<hbm>>
        %dma_wait3A_173 = tpu.memref_squeeze %dma_wait3A_172 : memref<1x26x1000xf32, #tpu.memory_space<hbm>> -> memref<26x1000xf32, #tpu.memory_space<hbm>>
        %dma_wait3A_174 = arith.constant 0 : i32
        %dma_wait3A_175 = arith.constant 0 : i32
        %dma_wait3A_176 = tpu.memref_slice %arg6[%dma_wait3A_158, %dma_wait3A_174, %dma_wait3A_175] : memref<2x26x1000xf32, #tpu.memory_space<vmem>> -> memref<1x26x1000xf32, #tpu.memory_space<vmem>>
        %dma_wait3A_177 = tpu.memref_squeeze %dma_wait3A_176 : memref<1x26x1000xf32, #tpu.memory_space<vmem>> -> memref<26x1000xf32, #tpu.memory_space<vmem>>
        tpu.wait_dma2 semaphore(%dma_wait3A_169 : memref<!tpu.dma_semaphore, #tpu.memory_space<semaphore_mem>>) src(%dma_wait3A_177 : memref<26x1000xf32, #tpu.memory_space<vmem>>) dst(%dma_wait3A_173 : memref<26x1000xf32, #tpu.memory_space<hbm>>)
        %get3A_178 = arith.constant 1 : i32
        %get3A_179 = arith.index_cast %get3A_178 : i32 to index
        %get3A_180 = arith.constant 0 : index
        %get3A_181 = tpu.vector_load %arg5[%get3A_179, %get3A_180] {strides = array<i32>} : memref<2x32xi32, #tpu.memory_space<vmem>>, vector<16xi32>,
        %get3A_182 = arith.constant 1 : i32
        %get3A_183 = arith.index_cast %get3A_182 : i32 to index
        %get3A_184 = arith.constant 16 : index
        %get3A_185 = tpu.vector_load %arg5[%get3A_183, %get3A_184] {strides = array<i32>} : memref<2x32xi32, #tpu.memory_space<vmem>>, vector<16xi32>,
        %scatter3A_186 = arith.constant 1 : i32
        %scatter3A_187 = arith.constant 0 : i32
        %scatter3A_188 = arith.constant 0 : i32
        %scatter3A_189 = tpu.memref_slice %arg6[%scatter3A_186, %scatter3A_187, %scatter3A_188] : memref<2x26x1000xf32, #tpu.memory_space<vmem>> -> memref<1x26x1000xf32, #tpu.memory_space<vmem>>
        %scatter3A_190 = tpu.memref_squeeze %scatter3A_189 : memref<1x26x1000xf32, #tpu.memory_space<vmem>> -> memref<26x1000xf32, #tpu.memory_space<vmem>>
        tpu.vector_store_idx %scatter3A_190[%iota3A, %get3A_181], %broadcast_in_dim3A_6 : memref<26x1000xf32, #tpu.memory_space<vmem>>[vector<16xi32>, vector<16xi32>], vector<16xf32>,
        %scatter3A_191 = arith.constant 1 : i32
        %scatter3A_192 = arith.constant 0 : i32
        %scatter3A_193 = arith.constant 0 : i32
        %scatter3A_194 = tpu.memref_slice %arg6[%scatter3A_191, %scatter3A_192, %scatter3A_193] : memref<2x26x1000xf32, #tpu.memory_space<vmem>> -> memref<1x26x1000xf32, #tpu.memory_space<vmem>>
        %scatter3A_195 = tpu.memref_squeeze %scatter3A_194 : memref<1x26x1000xf32, #tpu.memory_space<vmem>> -> memref<26x1000xf32, #tpu.memory_space<vmem>>
        tpu.vector_store_idx %scatter3A_195[%add3A_9, %get3A_185], %broadcast_in_dim3A_6 masked %lt3A_11 : memref<26x1000xf32, #tpu.memory_space<vmem>>[vector<16xi32>, vector<16xi32>], vector<16xf32>, vector<16xi1>
      } else {
      }
      %run_scoped3A_118 = arith.constant 1 : i32
      "tpu.region"() ({
        %run_scoped3A_157 = tpu.sem_alloc : memref<!tpu.dma_semaphore, #tpu.memory_space<semaphore_mem>>
        %dma_start3A_158 = arith.constant 0 : i32
        %dma_start3A_159 = tpu.memref_slice %arg5[%run_scoped3A_118, %dma_start3A_158] : memref<2x32xi32, #tpu.memory_space<vmem>> -> memref<1x32xi32, #tpu.memory_space<vmem>>
        %dma_start3A_160 = tpu.memref_squeeze %dma_start3A_159 : memref<1x32xi32, #tpu.memory_space<vmem>> -> memref<32xi32, #tpu.memory_space<vmem>>
        %dma_start3A_161 = arith.constant 0 : i32
        %dma_start3A_162 = tpu.memref_slice %arg2[%add3A_112, %dma_start3A_161] : memref<4096x32xi32, #tpu.memory_space<hbm>> -> memref<1x32xi32, #tpu.memory_space<hbm>>
        %dma_start3A_163 = tpu.memref_squeeze %dma_start3A_162 : memref<1x32xi32, #tpu.memory_space<hbm>> -> memref<32xi32, #tpu.memory_space<hbm>>
        %dma_start3A_164 = arith.constant 0 : i32
        %dma_start3A_165 = tpu.memref_slice %arg5[%run_scoped3A_118, %dma_start3A_164] : memref<2x32xi32, #tpu.memory_space<vmem>> -> memref<1x32xi32, #tpu.memory_space<vmem>>
        %dma_start3A_166 = tpu.memref_squeeze %dma_start3A_165 : memref<1x32xi32, #tpu.memory_space<vmem>> -> memref<32xi32, #tpu.memory_space<vmem>>
        %dma_start3A_167 = arith.constant 0 : i32
        %dma_start3A_168 = tpu.memref_slice %arg2[%add3A_112, %dma_start3A_167] : memref<4096x32xi32, #tpu.memory_space<hbm>> -> memref<1x32xi32, #tpu.memory_space<hbm>>
        %dma_start3A_169 = tpu.memref_squeeze %dma_start3A_168 : memref<1x32xi32, #tpu.memory_space<hbm>> -> memref<32xi32, #tpu.memory_space<hbm>>
        tpu.enqueue_dma source(%dma_start3A_169 : memref<32xi32, #tpu.memory_space<hbm>>) target(%dma_start3A_166 : memref<32xi32, #tpu.memory_space<vmem>>) target_semaphore(%run_scoped3A_157 : memref<!tpu.dma_semaphore, #tpu.memory_space<semaphore_mem>>)
        %dma_wait3A_170 = arith.constant 0 : i32
        %dma_wait3A_171 = tpu.memref_slice %arg5[%run_scoped3A_118, %dma_wait3A_170] : memref<2x32xi32, #tpu.memory_space<vmem>> -> memref<1x32xi32, #tpu.memory_space<vmem>>
        %dma_wait3A_172 = tpu.memref_squeeze %dma_wait3A_171 : memref<1x32xi32, #tpu.memory_space<vmem>> -> memref<32xi32, #tpu.memory_space<vmem>>
        %dma_wait3A_173 = arith.constant 0 : i32
        %dma_wait3A_174 = tpu.memref_slice %arg2[%add3A_112, %dma_wait3A_173] : memref<4096x32xi32, #tpu.memory_space<hbm>> -> memref<1x32xi32, #tpu.memory_space<hbm>>
        %dma_wait3A_175 = tpu.memref_squeeze %dma_wait3A_174 : memref<1x32xi32, #tpu.memory_space<hbm>> -> memref<32xi32, #tpu.memory_space<hbm>>
        %dma_wait3A_176 = arith.constant 0 : i32
        %dma_wait3A_177 = tpu.memref_slice %arg5[%run_scoped3A_118, %dma_wait3A_176] : memref<2x32xi32, #tpu.memory_space<vmem>> -> memref<1x32xi32, #tpu.memory_space<vmem>>
        %dma_wait3A_178 = tpu.memref_squeeze %dma_wait3A_177 : memref<1x32xi32, #tpu.memory_space<vmem>> -> memref<32xi32, #tpu.memory_space<vmem>>
        %dma_wait3A_179 = arith.constant 0 : i32
        %dma_wait3A_180 = tpu.memref_slice %arg2[%add3A_112, %dma_wait3A_179] : memref<4096x32xi32, #tpu.memory_space<hbm>> -> memref<1x32xi32, #tpu.memory_space<hbm>>
        %dma_wait3A_181 = tpu.memref_squeeze %dma_wait3A_180 : memref<1x32xi32, #tpu.memory_space<hbm>> -> memref<32xi32, #tpu.memory_space<hbm>>
        tpu.wait_dma2 semaphore(%run_scoped3A_157 : memref<!tpu.dma_semaphore, #tpu.memory_space<semaphore_mem>>) src(%dma_wait3A_181 : memref<32xi32, #tpu.memory_space<hbm>>) dst(%dma_wait3A_178 : memref<32xi32, #tpu.memory_space<vmem>>)
        tpu.yield
      }) : () -> ()
      %get3A_119 = arith.constant 1 : i32
      %get3A_120 = arith.index_cast %get3A_119 : i32 to index
      %get3A_121 = arith.constant 0 : index
      %get3A_122 = tpu.vector_load %arg5[%get3A_120, %get3A_121] {strides = array<i32>} : memref<2x32xi32, #tpu.memory_space<vmem>>, vector<16xi32>,
      %get3A_123 = arith.constant 1 : i32
      %get3A_124 = arith.index_cast %get3A_123 : i32 to index
      %get3A_125 = arith.constant 16 : index
      %get3A_126 = tpu.vector_load %arg5[%get3A_124, %get3A_125] {strides = array<i32>} : memref<2x32xi32, #tpu.memory_space<vmem>>, vector<16xi32>,
      %scatter3A_127 = arith.constant 1 : i32
      %scatter3A_128 = arith.constant 0 : i32
      %scatter3A_129 = arith.constant 0 : i32
      %scatter3A_130 = tpu.memref_slice %arg6[%scatter3A_127, %scatter3A_128, %scatter3A_129] : memref<2x26x1000xf32, #tpu.memory_space<vmem>> -> memref<1x26x1000xf32, #tpu.memory_space<vmem>>
      %scatter3A_131 = tpu.memref_squeeze %scatter3A_130 : memref<1x26x1000xf32, #tpu.memory_space<vmem>> -> memref<26x1000xf32, #tpu.memory_space<vmem>>
      tpu.vector_store_idx %scatter3A_131[%iota3A, %get3A_122], %broadcast_in_dim3A_4 : memref<26x1000xf32, #tpu.memory_space<vmem>>[vector<16xi32>, vector<16xi32>], vector<16xf32>,
      %scatter3A_132 = arith.constant 1 : i32
      %scatter3A_133 = arith.constant 0 : i32
      %scatter3A_134 = arith.constant 0 : i32
      %scatter3A_135 = tpu.memref_slice %arg6[%scatter3A_132, %scatter3A_133, %scatter3A_134] : memref<2x26x1000xf32, #tpu.memory_space<vmem>> -> memref<1x26x1000xf32, #tpu.memory_space<vmem>>
      %scatter3A_136 = tpu.memref_squeeze %scatter3A_135 : memref<1x26x1000xf32, #tpu.memory_space<vmem>> -> memref<26x1000xf32, #tpu.memory_space<vmem>>
      tpu.vector_store_idx %scatter3A_136[%add3A_9, %get3A_126], %broadcast_in_dim3A_4 masked %lt3A_11 : memref<26x1000xf32, #tpu.memory_space<vmem>>[vector<16xi32>, vector<16xi32>], vector<16xf32>, vector<16xi1>
      %dma_start3A_137 = arith.constant 1 : i32
      %dma_start3A_138 = arith.constant 1 : i32
      %dma_start3A_139 = arith.constant 0 : i32
      %dma_start3A_140 = arith.constant 0 : i32
      %dma_start3A_141 = tpu.memref_slice %arg6[%dma_start3A_137, %dma_start3A_139, %dma_start3A_140] : memref<2x26x1000xf32, #tpu.memory_space<vmem>> -> memref<1x26x1000xf32, #tpu.memory_space<vmem>>
      %dma_start3A_142 = tpu.memref_squeeze %dma_start3A_141 : memref<1x26x1000xf32, #tpu.memory_space<vmem>> -> memref<26x1000xf32, #tpu.memory_space<vmem>>
      %dma_start3A_143 = arith.constant 0 : i32
      %dma_start3A_144 = arith.constant 0 : i32
      %dma_start3A_145 = tpu.memref_slice %arg4[%add3A_112, %dma_start3A_143, %dma_start3A_144] : memref<4096x26x1000xf32, #tpu.memory_space<hbm>> -> memref<1x26x1000xf32, #tpu.memory_space<hbm>>
      %dma_start3A_146 = tpu.memref_squeeze %dma_start3A_145 : memref<1x26x1000xf32, #tpu.memory_space<hbm>> -> memref<26x1000xf32, #tpu.memory_space<hbm>>
      %dma_start3A_147 = tpu.memref_slice %arg7[%dma_start3A_138] : memref<2x!tpu.dma_semaphore, #tpu.memory_space<semaphore_mem>> -> memref<1x!tpu.dma_semaphore, #tpu.memory_space<semaphore_mem>>
      %dma_start3A_148 = tpu.memref_squeeze %dma_start3A_147 : memref<1x!tpu.dma_semaphore, #tpu.memory_space<semaphore_mem>> -> memref<!tpu.dma_semaphore, #tpu.memory_space<semaphore_mem>>
      %dma_start3A_149 = arith.constant 0 : i32
      %dma_start3A_150 = arith.constant 0 : i32
      %dma_start3A_151 = tpu.memref_slice %arg4[%add3A_112, %dma_start3A_149, %dma_start3A_150] : memref<4096x26x1000xf32, #tpu.memory_space<hbm>> -> memref<1x26x1000xf32, #tpu.memory_space<hbm>>
      %dma_start3A_152 = tpu.memref_squeeze %dma_start3A_151 : memref<1x26x1000xf32, #tpu.memory_space<hbm>> -> memref<26x1000xf32, #tpu.memory_space<hbm>>
      %dma_start3A_153 = arith.constant 0 : i32
      %dma_start3A_154 = arith.constant 0 : i32
      %dma_start3A_155 = tpu.memref_slice %arg6[%dma_start3A_137, %dma_start3A_153, %dma_start3A_154] : memref<2x26x1000xf32, #tpu.memory_space<vmem>> -> memref<1x26x1000xf32, #tpu.memory_space<vmem>>
      %dma_start3A_156 = tpu.memref_squeeze %dma_start3A_155 : memref<1x26x1000xf32, #tpu.memory_space<vmem>> -> memref<26x1000xf32, #tpu.memory_space<vmem>>
      tpu.enqueue_dma source(%dma_start3A_156 : memref<26x1000xf32, #tpu.memory_space<vmem>>) target(%dma_start3A_152 : memref<26x1000xf32, #tpu.memory_space<hbm>>) target_semaphore(%dma_start3A_148 : memref<!tpu.dma_semaphore, #tpu.memory_space<semaphore_mem>>)
    }
    %scan3A_16 = arith.constant 64 : i32
    %add3A_17 = arith.constant 126 : i32
    %add3A_18 = arith.addi %mul3A_2, %add3A_17 : i32
    %add3A_19 = arith.constant 0 : i32
    %add3A_20 = arith.addi %add3A_18, %add3A_19 : i32
    %dma_wait3A = arith.constant 0 : i32
    %dma_wait3A_21 = arith.constant 0 : i32
    %dma_wait3A_22 = arith.constant 0 : i32
    %dma_wait3A_23 = arith.constant 0 : i32
    %dma_wait3A_24 = tpu.memref_slice %arg6[%dma_wait3A, %dma_wait3A_22, %dma_wait3A_23] : memref<2x26x1000xf32, #tpu.memory_space<vmem>> -> memref<1x26x1000xf32, #tpu.memory_space<vmem>>
    %dma_wait3A_25 = tpu.memref_squeeze %dma_wait3A_24 : memref<1x26x1000xf32, #tpu.memory_space<vmem>> -> memref<26x1000xf32, #tpu.memory_space<vmem>>
    %dma_wait3A_26 = arith.constant 0 : i32
    %dma_wait3A_27 = arith.constant 0 : i32
    %dma_wait3A_28 = tpu.memref_slice %arg4[%add3A_20, %dma_wait3A_26, %dma_wait3A_27] : memref<4096x26x1000xf32, #tpu.memory_space<hbm>> -> memref<1x26x1000xf32, #tpu.memory_space<hbm>>
    %dma_wait3A_29 = tpu.memref_squeeze %dma_wait3A_28 : memref<1x26x1000xf32, #tpu.memory_space<hbm>> -> memref<26x1000xf32, #tpu.memory_space<hbm>>
    %dma_wait3A_30 = tpu.memref_slice %arg7[%dma_wait3A_21] : memref<2x!tpu.dma_semaphore, #tpu.memory_space<semaphore_mem>> -> memref<1x!tpu.dma_semaphore, #tpu.memory_space<semaphore_mem>>
    %dma_wait3A_31 = tpu.memref_squeeze %dma_wait3A_30 : memref<1x!tpu.dma_semaphore, #tpu.memory_space<semaphore_mem>> -> memref<!tpu.dma_semaphore, #tpu.memory_space<semaphore_mem>>
    %dma_wait3A_32 = arith.constant 0 : i32
    %dma_wait3A_33 = arith.constant 0 : i32
    %dma_wait3A_34 = tpu.memref_slice %arg4[%add3A_20, %dma_wait3A_32, %dma_wait3A_33] : memref<4096x26x1000xf32, #tpu.memory_space<hbm>> -> memref<1x26x1000xf32, #tpu.memory_space<hbm>>
    %dma_wait3A_35 = tpu.memref_squeeze %dma_wait3A_34 : memref<1x26x1000xf32, #tpu.memory_space<hbm>> -> memref<26x1000xf32, #tpu.memory_space<hbm>>
    %dma_wait3A_36 = arith.constant 0 : i32
    %dma_wait3A_37 = arith.constant 0 : i32
    %dma_wait3A_38 = tpu.memref_slice %arg6[%dma_wait3A, %dma_wait3A_36, %dma_wait3A_37] : memref<2x26x1000xf32, #tpu.memory_space<vmem>> -> memref<1x26x1000xf32, #tpu.memory_space<vmem>>
    %dma_wait3A_39 = tpu.memref_squeeze %dma_wait3A_38 : memref<1x26x1000xf32, #tpu.memory_space<vmem>> -> memref<26x1000xf32, #tpu.memory_space<vmem>>
    tpu.wait_dma2 semaphore(%dma_wait3A_31 : memref<!tpu.dma_semaphore, #tpu.memory_space<semaphore_mem>>) src(%dma_wait3A_39 : memref<26x1000xf32, #tpu.memory_space<vmem>>) dst(%dma_wait3A_35 : memref<26x1000xf32, #tpu.memory_space<hbm>>)
    %add3A_40 = arith.constant 126 : i32
    %add3A_41 = arith.addi %mul3A_2, %add3A_40 : i32
    %add3A_42 = arith.constant 1 : i32
    %add3A_43 = arith.addi %add3A_41, %add3A_42 : i32
    %dma_wait3A_44 = arith.constant 1 : i32
    %dma_wait3A_45 = arith.constant 1 : i32
    %dma_wait3A_46 = arith.constant 0 : i32
    %dma_wait3A_47 = arith.constant 0 : i32
    %dma_wait3A_48 = tpu.memref_slice %arg6[%dma_wait3A_44, %dma_wait3A_46, %dma_wait3A_47] : memref<2x26x1000xf32, #tpu.memory_space<vmem>> -> memref<1x26x1000xf32, #tpu.memory_space<vmem>>
    %dma_wait3A_49 = tpu.memref_squeeze %dma_wait3A_48 : memref<1x26x1000xf32, #tpu.memory_space<vmem>> -> memref<26x1000xf32, #tpu.memory_space<vmem>>
    %dma_wait3A_50 = arith.constant 0 : i32
    %dma_wait3A_51 = arith.constant 0 : i32
    %dma_wait3A_52 = tpu.memref_slice %arg4[%add3A_43, %dma_wait3A_50, %dma_wait3A_51] : memref<4096x26x1000xf32, #tpu.memory_space<hbm>> -> memref<1x26x1000xf32, #tpu.memory_space<hbm>>
    %dma_wait3A_53 = tpu.memref_squeeze %dma_wait3A_52 : memref<1x26x1000xf32, #tpu.memory_space<hbm>> -> memref<26x1000xf32, #tpu.memory_space<hbm>>
    %dma_wait3A_54 = tpu.memref_slice %arg7[%dma_wait3A_45] : memref<2x!tpu.dma_semaphore, #tpu.memory_space<semaphore_mem>> -> memref<1x!tpu.dma_semaphore, #tpu.memory_space<semaphore_mem>>
    %dma_wait3A_55 = tpu.memref_squeeze %dma_wait3A_54 : memref<1x!tpu.dma_semaphore, #tpu.memory_space<semaphore_mem>> -> memref<!tpu.dma_semaphore, #tpu.memory_space<semaphore_mem>>
    %dma_wait3A_56 = arith.constant 0 : i32
    %dma_wait3A_57 = arith.constant 0 : i32
    %dma_wait3A_58 = tpu.memref_slice %arg4[%add3A_43, %dma_wait3A_56, %dma_wait3A_57] : memref<4096x26x1000xf32, #tpu.memory_space<hbm>> -> memref<1x26x1000xf32, #tpu.memory_space<hbm>>
    %dma_wait3A_59 = tpu.memref_squeeze %dma_wait3A_58 : memref<1x26x1000xf32, #tpu.memory_space<hbm>> -> memref<26x1000xf32, #tpu.memory_space<hbm>>
    %dma_wait3A_60 = arith.constant 0 : i32
    %dma_wait3A_61 = arith.constant 0 : i32
    %dma_wait3A_62 = tpu.memref_slice %arg6[%dma_wait3A_44, %dma_wait3A_60, %dma_wait3A_61] : memref<2x26x1000xf32, #tpu.memory_space<vmem>> -> memref<1x26x1000xf32, #tpu.memory_space<vmem>>
    %dma_wait3A_63 = tpu.memref_squeeze %dma_wait3A_62 : memref<1x26x1000xf32, #tpu.memory_space<vmem>> -> memref<26x1000xf32, #tpu.memory_space<vmem>>
    tpu.wait_dma2 semaphore(%dma_wait3A_55 : memref<!tpu.dma_semaphore, #tpu.memory_space<semaphore_mem>>) src(%dma_wait3A_63 : memref<26x1000xf32, #tpu.memory_space<vmem>>) dst(%dma_wait3A_59 : memref<26x1000xf32, #tpu.memory_space<hbm>>)
    return
  }
}

</mosaic_0001>

<sc_bundles>
// kernel: kernel.3.cloned.1.call-start
scs
__scs_entry_jumppad:
0x0: {  	(pc) =	sbr.rel $0x88, $3  }
0x1: {  	(tag) =	ssettag $0x0;
	lr =	simm.s32 $0x1  }
0x2: {  	[smem:$0x3FA0] =	sst lr;
	_ =	strace $0xD0000000  }
0x3: {  	_ = 	snop  }
0x4: {  	_ = 	snop  }
0x5: {  	_ = 	snop  }
0x6: {  	_ = 	snop  }
0x7: {  	_ = 	snop  }
__scs_overlays_trampoline_lowered:
0x8: {  	[smem:$0x3FAF] =	sst s0  }
0x9: {  	[smem:$0x3FB0] =	sst s1  }
0xa: {  	[smem:$0x3FB1] =	sst s2  }
0xb: {  	[smem:$0x3FB2] =	sst s3  }
0xc: {  	[smem:$0x3FB3] =	sst s4  }
0xd: {  	[smem:$0x3FB4] =	sst s5  }
0xe: {  	[smem:$0x3FB5] =	sst s6  }
0xf: {  	[smem:$0x3FB6] =	sst s7  }
0x10: {  	[smem:$0x3FB7] =	sst s8  }
0x11: {  	[smem:$0x3FB8] =	sst s9;
	s0 =	simm.s32 @!p0 $0x0  }
0x12: {  	s1 =	sld [smem:$0x3F9E];
	s0 =	simm.s32 @p0 $0x1  }
0x13: {  	[smem:$0x3FB9] =	sst s0;
	s0 =	simm.s32 @!p1 $0x0  }
0x14: {  	s2 =	sld [smem:$0x3F9D];
	s0 =	simm.s32 @p1 $0x1  }
0x15: {  	[smem:$0x3FBA] =	sst s0;
	s0 =	simm.s32 @!p2 $0x0  }
0x16: {  	s3 =	sld [smem:$0x3FDB];
	s0 =	simm.s32 @p2 $0x1  }
0x17: {  	s4 =	simm.s32 $0x1BF5;
	[smem:$0x3FBC] =	sst s0  }
0x18: {  	s0 =	sld [smem:$0x3F9F];
	_ =	swait.ge [sflag:s4], $0x0  }
0x19: {  	s7 =	sld [smem:$0x3FA0]  }
0x1a: {  	s8 =	sadd.s32 $0xFFFFE003, lr  }
0x1b: {  	s9 =	sadd.s32 $0xFFFFFEF7, lr;
	s5 =	simm.s32 $0xFFFFFFFF;
	p2 =	slt.u32 s8, $0xFFFFF086  }
0x1c: {  	p1 =	slt.u32 s9, $0xF7A;
	s5 =	simm.s32 @!p2 $0x0  }
0x1d: {  	s5 =	simm.s32 @p1 $0x1;
	p0 =	seq.s32 s7, s2  }
0x1e: {  	s7 =	smul.u32 @!p0 $0xF7A, s2;
	p2 =	seq.s32 @!p0 s5, $0x0  }
0x1f: {  	s9 =	smul.u32 $0xF7A, s1;
	s8 =	simm.s32 @!p0 $0x1BF5;
	p2 =	por !p2, p0  }
0x20: {  	[sflag:s8] =	ssyncset.s32 @!p0 $0xFFFFF086;
	s6 =	sadd.s32 @!p0 s3, s7;
	s7 =	simm.s32 @!p0 $0x108  }
0x21: {  	s3 =	sadd.s32 s3, s9;
	s6 =	sadd.s32 @!p0 $0x88, s6;
	s7 =	simm.s32 @p2 $0x1082  }
0x22: {  	[simem:s7], [sflag:s8] =	dma.local @!p0 [hbm:s6], $0xF7A  }
0x23: {  	s9 =	sor.u32 $0xD0000000, s2;
	s6 =	simm.s32 $0x108;
	_ =	swait.ge @!p0 [sflag:s8], $0x0  }
0x24: {  	s3 =	sadd.s32 $0x88, s3;
	s6 =	simm.s32 @!p1 $0x1082;
	[sflag:s4] =	ssyncset.s32 $0xFFFFF086  }
0x25: {  	[simem:s6], [sflag:s4] =	dma.local [hbm:s3], $0xF7A  }
0x26: {  	[smem:$0x3FA0] =	sst s1;
	(tag) =	ssettag s2;
	_ =	strace s9  }
0x27: {  	s1 =	sld [smem:$0x3FB0]  }
0x28: {  	s2 =	sld [smem:$0x3FB1]  }
0x29: {  	s4 =	sld [smem:$0x3FB3]  }
0x2a: {  	p0 =	seq.s32 s5, $0x0;
	s5 =	sld [smem:$0x3FB4]  }
0x2b: {  	s6 =	sld [smem:$0x3FB5]  }
0x2c: {  	s7 =	sld [smem:$0x3FB6]  }
0x2d: {  	s3 =	simm.s32 $0x108;
	s8 =	sld [smem:$0x3FB7]  }
0x2e: {  	s3 =	simm.s32 @!p0 $0x1082;
	s9 =	sld [smem:$0x3FB8]  }
0x2f: {  	lr =	sadd.s32 s0, s3;
	s0 =	sld [smem:$0x3FAF]  }
0x30: {  	s3 =	sld [smem:$0x3FB2]  }
0x31: {  	[smem:$0x3FBB] =	sst s10  }
0x32: {  	s10 =	sld [smem:$0x3FB9];
	_ =	sdelay $0x3  }
0x33: {  	p0 =	seq.s32 s10, $0x1;
	s10 =	sld [smem:$0x3FBB];
	_ =	sdelay $0x3  }
0x34: {  	[smem:$0x3FBB] =	sst s10  }
0x35: {  	s10 =	sld [smem:$0x3FBA];
	_ =	sdelay $0x3  }
0x36: {  	p1 =	seq.s32 s10, $0x1;
	s10 =	sld [smem:$0x3FBB];
	_ =	sdelay $0x3  }
0x37: {  	[smem:$0x3FBB] =	sst s10  }
0x38: {  	s10 =	sld [smem:$0x3FBC]  }
0x39: {  	_ = 	snop;
	(pc) =	sbr.ind lr, $3  }
0x3a: {  	_ = 	snop  }
0x3b: {  	_ = 	snop  }
0x3c: {  	p2 =	seq.s32 s10, $0x1;
	s10 =	sld [smem:$0x3FBB]  }
0x3d: {  	_ =	shalt  }
0x3e: {  	_ =	shalt  }
0x3f: {  	_ =	shalt  }
0x40: {  	_ =	shalt  }
0x41: {  	_ =	shalt  }
0x42: {  	_ =	shalt  }
0x43: {  	_ =	shalt  }
0x44: {  	_ =	shalt  }
0x45: {  	_ =	shalt  }
0x46: {  	_ =	shalt  }
0x47: {  	_ =	shalt  }
0x48: {  	_ =	shalt  }
0x49: {  	_ =	shalt  }
0x4a: {  	_ =	shalt  }
0x4b: {  	_ =	shalt  }
0x4c: {  	_ =	shalt  }
0x4d: {  	_ =	shalt  }
0x4e: {  	_ =	shalt  }
0x4f: {  	_ =	shalt  }
0x50: {  	_ =	shalt  }
0x51: {  	_ =	shalt  }
0x52: {  	_ =	shalt  }
0x53: {  	_ =	shalt  }
0x54: {  	_ =	shalt  }
0x55: {  	_ =	shalt  }
0x56: {  	_ =	shalt  }
0x57: {  	_ =	shalt  }
0x58: {  	_ =	shalt  }
0x59: {  	_ =	shalt  }
0x5a: {  	_ =	shalt  }
0x5b: {  	_ =	shalt  }
0x5c: {  	_ =	shalt  }
0x5d: {  	_ =	shalt  }
0x5e: {  	_ =	shalt  }
0x5f: {  	_ =	shalt  }
0x60: {  	_ =	shalt  }
0x61: {  	_ =	shalt  }
0x62: {  	_ =	shalt  }
0x63: {  	_ =	shalt  }
0x64: {  	_ =	shalt  }
0x65: {  	_ =	shalt  }
0x66: {  	_ =	shalt  }
0x67: {  	_ =	shalt  }
0x68: {  	_ =	shalt  }
0x69: {  	_ =	shalt  }
0x6a: {  	_ =	shalt  }
0x6b: {  	_ =	shalt  }
0x6c: {  	_ =	shalt  }
0x6d: {  	_ =	shalt  }
0x6e: {  	_ =	shalt  }
0x6f: {  	_ =	shalt  }
0x70: {  	_ =	shalt  }
0x71: {  	_ =	shalt  }
0x72: {  	_ =	shalt  }
0x73: {  	_ =	shalt  }
0x74: {  	_ =	shalt  }
0x75: {  	_ =	shalt  }
0x76: {  	_ =	shalt  }
0x77: {  	_ =	shalt  }
0x78: {  	_ =	shalt  }
0x79: {  	_ =	shalt  }
0x7a: {  	_ =	shalt  }
0x7b: {  	_ =	shalt  }
0x7c: {  	_ =	shalt  }
0x7d: {  	_ =	shalt  }
0x7e: {  	_ =	shalt  }
0x7f: {  	_ =	shalt  }
0x80: {  	_ =	shalt  }
0x81: {  	_ =	shalt  }
0x82: {  	_ =	shalt  }
0x83: {  	_ =	shalt  }
0x84: {  	_ =	shalt  }
0x85: {  	_ =	shalt  }
0x86: {  	_ =	shalt  }
0x87: {  	_ =	shalt  }
.Lfunc_end0:
.L_simem_size_0:
called_computation_lowered:
.L_overlay_start_0:
0x88: {  	s2 =	sld [smem:$0x3FD9]  }
0x89: {  	s3 =	sld [smem:$0x3FFE];
	_ =	sdelay $0x1  }
0x8a: {  	s1 =	srdreg.scid  }
0x8b: {  	s0 =	sand.u32 $0x1, s1  }
0x8c: {  	s17 =	sshll.u32 s0, $0xA;
	s2 =	sadd.s32 s3, s2  }
0x8d: {  	s2 =	sadd.s32 s2, s17  }
0x8e: {  	[smem:$0x3FC7] =	sst s2  }
0x8f: {  	_ = 	snop  }
0x90: {  	s2 =	sld [smem:$0x3FD0];
	(tm) =	ssettm $0x1  }
0x91: {  	s18 =	sld [smem:$0x3FFB];
	_ =	sdelay $0x3  }
0x92: {  	_ =	strace s18  }
0x93: {  	s3 =	sld [smem:$0x3FFC];
	_ =	sdelay $0x3  }
0x94: {  	_ =	strace s3  }
0x95: {  	s3 =	sld [smem:$0x3FFD];
	_ =	sdelay $0x3  }
0x96: {  	_ =	strace s3  }
0x97: {  	_ =	strace $0x8FFFFFFF  }
0x98: {  	s19 =	sld [smem:$0x3FDB];
	_ =	sdelay $0x1  }
0x99: {  	s4 =	simm.s32 $_scs_section_size  }
0x9a: {  	s5 =	simm.s32 $_size__tile_overlayer_lowered;
	s6 =	simm.s32 $_tile_overlayer_lowered  }
0x9b: {  	s22 =	simm.s32 $0x1BFF;
	s21 =	sshll.u32 s6, $0x1;
	s3 =	sadd.s32 s4, s19  }
0x9c: {  	s7 =	simm.s32 $0x0;
	s20 =	sshll.u32 s5, $0x1;
	s5 =	sadd.s32 s21, s3  }
0x9d: {  	[timem:s7], [sflag:s22] =	dma.local [hbm:s5], s20  }
0x9e: {  	_ =	swait.ge [sflag:s22], s20  }
0x9f: {  	s4 =	ssub.s32 $0x0, s20;
	[sflag:s22] =	ssyncset.done $0x0  }
0xa0: {  	[sflag:s22] =	ssyncadd.s32 s4;
	_ =	sdelay $0x1  }
0xa1: {  	s23 =	simm.s32 $0x1B8B  }
0xa2: {  	_ =	swait.ge [sflag:s23], $0x1  }
0xa3: {  	[sflag:s23] =	ssyncset.done $0x0  }
0xa4: {  	s25 =	simm.s32 $0x1B8E;
	s24 =	sld [smem:$0x3FFE];
	[sflag:s23] =	ssyncadd.s32 $0xFFFFFFFF  }
0xa5: {  	s26 =	simm.s32 $execute0_lowered;
	[smem:$0x3FD2] =	sst s25  }
0xa6: {  	s5 =	sshll.u32 s26, $0x1;
	_ =	strace $0x80000046;
	[dreg:$0x1] =	wrdreg $0xFFFFFFFF  }
0xa7: {  	s28 =	simm.s32 $_size_execute0_lowered;
	s3 =	sadd.s32 s3, s5;
	[dreg:$0x0] =	wrdreg $0x0  }
0xa8: {  	s5 =	sshll.u32 s28, $0x1;
	[dreg:$0x2] =	wrdreg s3  }
0xa9: {  	[dreg:$0x3] =	wrdreg s5  }
0xaa: {  	[dreg:$0x4] =	wrdreg $0xC0  }
0xab: {  	_ =	task [dreg:s7], $0x5FFFF  }
0xac: {  	[dreg:$0x1] =	wrdreg $0xFFFFFFFF  }
0xad: {  	[dreg:$0x0] =	wrdreg $0x60  }
0xae: {  	[dreg:$0x2] =	wrdreg s2  }
0xaf: {  	[dreg:$0x3] =	wrdreg s24  }
0xb0: {  	[dreg:$0x4] =	wrdreg $0x9  }
0xb1: {  	_ =	task.clear_ibuf [dreg:s7], $0x5FFFF;
	_ =	strace $0x90000046  }
0xb2: {  	s29 =	simm.s32 $0x9;
	_ =	strace $0x80000048  }
0xb3: {  	_ =	swait.ge [sflag:s29], $0x1  }
0xb4: {  	[sflag:s29] =	ssyncadd.s32 $0xFFFFFFFF  }
0xb5: {  	_ =	strace $0x90000048  }
0xb6: {  	_ =	sfence  }
0xb7: {  	s30 =	sld [smem:$0x0];
	_ =	sdelay $0x2  }
0xb8: {  	s31 =	sshll.u32 s1, $0xD;
	s1 =	sshrl.u32 s1, $0x2  }
0xb9: {  	s3 =	sand.u32 $0x4000, s31;
	s1 =	sadd.s32 s1, s30  }
0xba: {  	s0 =	sor.u32 s3, s0;
	s1 =	sshll.u32 s1, $0x11  }
0xbb: {  	s0 =	sor.u32 s1, s0  }
0xbc: {  	s0 =	sadd.s32 $0x8F2B, s0  }
0xbd: {  	[sflag:s0] =	ssyncadd.remote.s32 $0x1  }
0xbe: {  	_ =	sfence.sel $0xFFFF  }
0xbf: {  	[dreg:$0x0] =	wrdreg $0xFFFFFFFF;
	(pc) =	sbr.abs _section_cstart, $3  }
0xc0: {  	[dreg:$0x1] =	wrdreg $0xFFFFFFFF  }
0xc1: {  	_ =	task.clear_ibuf [dreg:s7], $0x2FFFF;
	_ =	strace $0x9FFFFFFF  }
0xc2: {  	(tm) =	ssettm $0x7FFFFFFF  }
0xc3: {  	_ =	shalt  }
tec
execute0_lowered:
.L_overlay_start_1:
0x0: {  	(tag) =	ssettag $0x1  }
0x1: {  	v0 =	vimm.s32 $0x2380  }
0x2: {  	vm0 =	vcmask $0x300;
	vm1 =	vcmask $0x704;
	v1 =	vimm.s32 $0x6380  }
0x3: {  	vm2 =	vcmask $0xB08;
	v0 =	vsel vm0, $0x0, v0;
	v1 =	vsel vm0, $0x4000, v1  }
0x4: {  	vm4 =	vcmask $0xF0C;
	v0 =	vsel vm1, $0x80, v0;
	v1 =	vsel vm1, $0x4080, v1  }
0x5: {  	vm5 =	vcmask $0x1310;
	v0 =	vsel vm2, $0x100, v0;
	v1 =	vsel vm2, $0x4100, v1  }
0x6: {  	vm6 =	vcmask $0x1714;
	v0 =	vsel vm4, $0x180, v0;
	v1 =	vsel vm4, $0x4180, v1  }
0x7: {  	s0 =	rddreg [dreg:$0x0];
	vm7 =	vcmask $0x1B18;
	v0 =	vsel vm5, $0x200, v0;
	v1 =	vsel vm5, $0x4200, v1  }
0x8: {  	s5 =	rddreg [dreg:$0x1];
	vm8 =	vcmask $0x1F1C;
	v0 =	vsel vm6, $0x280, v0;
	v1 =	vsel vm6, $0x4280, v1  }
0x9: {  	s3 =	srdreg.scid;
	s1 =	rddreg [dreg:$0x2];
	s2 =	simm.s32 $0x0;
	vm9 =	vcmask $0x2320;
	v0 =	vsel vm7, $0x300, v0;
	v1 =	vsel vm7, $0x4300, v1  }
0xa: {  	vm10 =	vcmask $0x2724;
	s10 =	simm.s32 $0x8100;
	s11 =	simm.s32 $0x80;
	s12 =	simm.s32 $0x1;
	v0 =	vsel vm8, $0x380, v0;
	v1 =	vsel vm8, $0x4380, v1  }
0xb: {  	vm11 =	vcmask $0x2B28;
	s13 =	simm.s32 $0x2;
	s14 =	simm.s32 $0x0;
	s6 =	sand.u32 $0x1, s3;
	v0 =	vsel vm9, $0x2000, v0;
	v1 =	vsel vm9, $0x6000, v1  }
0xc: {  	vm12 =	vcmask $0x2F2C;
	[smem:$0x7FF] =	sst s2;
	s3 =	stileid.u32;
	s4 =	sadd.s32 $0x400, s5;
	v0 =	vsel vm10, $0x2080, v0;
	v1 =	vsel vm10, $0x6080, v1  }
0xd: {  	vm13 =	vcmask $0x3330;
	s7 =	ssub.s32 $0x2, s6;
	_ =	strace $0x80000047;
	s9 =	sshll.u32 s3, $0x14;
	v0 =	vsel vm11, $0x2100, v0;
	v1 =	vsel vm11, $0x6100, v1  }
0xe: {  	vm14 =	vcmask $0x3734;
	s29 =	sshll.u32 s6, $0x13;
	s30 =	sshll.u32 s3, $0xC;
	s8 =	sshrl.u32 s7, $0x1;
	v0 =	vsel vm12, $0x2180, v0;
	v1 =	vsel vm12, $0x6180, v1  }
0xf: {  	vm15 =	vcmask $0x3B38;
	s31 =	sshll.u32 s6, $0xB;
	s28 =	sadd.s32 s9, s5;
	s7 =	ssub.s32 s7, s8;
	v0 =	vsel vm13, $0x2200, v0;
	v1 =	vsel vm13, $0x6200, v1  }
0x10: {  	v3 =	vimm.f32 $0.0e+00;
	s9 =	simm.s32 $0x3;
	s5 =	smax.u32 s7, $0x1;
	s7 =	sadd.s32 s29, s28;
	v0 =	vsel vm14, $0x2280, v0;
	v2 =	vsel vm14, $0x6280, v1  }
0x11: {  	s8 =	simm.s32 $0x100;
	s6 =	sadd.s32 $0x1400, s7;
	s7 =	sor.u32 s31, s30;
	v1 =	vimm.f32 $1.000000000e+00;
	v0 =	vsel vm15, $0x2300, v0;
	v2 =	vsel vm15, $0x6300, v2  }
.LBB2_1:
0x12: {  	[tilespmem:s8], [sflag:$0x3] =	stream.linear.gather [hbm4b:s4+s2], $0x8000, $0x38;
	[tilespmem:$0x10100] =	vst v63  }
0x13: {  	_ =	swait.ge [sflag:s9], $0x8000  }
0x14: {  	[sflag:s9] =	ssyncset.done $0x0  }
0x15: {  	[sflag:s9] =	ssyncadd.s32 $0xFFFF8000  }
0x16: {  	[tilespmem:s10], [sflag:$0x3] =	stream.linear.gather [hbm4b:s4+s2], $0x8000, $0x38;
	[tilespmem:$0x10100] =	vst v63  }
0x17: {  	_ =	swait.ge [sflag:s9], $0x8000  }
0x18: {  	[sflag:s9] =	ssyncset.done $0x0  }
0x19: {  	s15 =	smov.u32 s6;
	s16 =	simm.s32 $0x0;
	[sflag:s9] =	ssyncadd.s32 $0xFFFF8000  }
.LBB2_2:
0x1a: {  	p0 =	seq.s32 s16, $0x0  }
0x1b: {  	_ =	swait.ge @!p0 [sflag:s12], $0x8000  }
0x1c: {  	[sflag:s12] =	ssyncset.done @!p0 $0x0  }
0x1d: {  	[sflag:s12] =	ssyncadd.s32 @!p0 $0xFFFF8000  }
0x1e: {  	v4 =	vld @!p0 [tilespmem:$0x0]  }
0x1f: {  	v5 =	vld @!p0 [tilespmem:$0x10];
	_ =	sdelay $0x3  }
0x20: {  	v6 =	vshll.u32 @!p0 v4, $0x3  }
0x21: {  	v4 =	vand.u32 @!p0 $0x7F, v4;
	v7 =	vshll.u32 @!p0 v5, $0x3;
	v6 =	vand.u32 @!p0 $0xFFFFFC00, v6  }
0x22: {  	v5 =	vand.u32 @!p0 $0x7F, v5;
	v4 =	vor.u32 @!p0 v4, v6;
	v6 =	vand.u32 @!p0 $0xFFFFFC00, v7  }
0x23: {  	v4 =	vadd.s32 @!p0 v0, v4;
	v5 =	vor.u32 @!p0 v5, v6  }
0x24: {  	v5 =	vadd.s32 @!p0 v2, v5;
	_ =	sdelay $0x2  }
0x25: {  	s17 =	sadd.s32 s16, s7;
	s18 =	sand.u32 $0x60, s16  }
0x26: {  	s17 =	sand.u32 $0xFF80, s17;
	s18 =	sadd.s32 s0, s18;
	[tilespmem:v4+s8+$0x0] =	vst.idx.msk @!p0 $0xffff, v3  }
0x27: {  	s17 =	sadd.s32 s17, s18;
	[tilespmem:v5+s8+$0x0] =	vst.idx.msk @!p0 $0x3ff, v3  }
0x28: {  	[tilespmem:s2], [sflag:$0x3] =	stream.linear.gather [hbm4b:s17+s2], $0x80, $0x38;
	[tilespmem:$0x10100] =	vst v63  }
0x29: {  	_ =	swait.ge [sflag:s9], $0x80  }
0x2a: {  	[sflag:s9] =	ssyncset.done $0x0  }
0x2b: {  	[sflag:s9] =	ssyncadd.s32 $0xFFFFFF80  }
0x2c: {  	v4 =	vld [tilespmem:$0x0]  }
0x2d: {  	v5 =	vld [tilespmem:$0x10];
	_ =	sdelay $0x3  }
0x2e: {  	v58 =	vshll.u32 v4, $0x3  }
0x2f: {  	v4 =	vand.u32 $0x7F, v4;
	v59 =	vshll.u32 v5, $0x3;
	v6 =	vand.u32 $0xFFFFFC00, v58  }
0x30: {  	v5 =	vand.u32 $0x7F, v5;
	v60 =	vand.u32 $0xFFFFFC00, v59;
	v4 =	vor.u32 v4, v6  }
0x31: {  	v5 =	vor.u32 v5, v60;
	v4 =	vadd.s32 v0, v4  }
0x32: {  	v5 =	vadd.s32 v2, v5;
	_ =	sdelay $0x3  }
0x33: {  	[tilespmem:v4+s8+$0x0] =	vst.idx.msk $0xffff, v1  }
0x34: {  	[tilespmem:v5+s8+$0x0] =	vst.idx.msk $0x3ff, v1  }
0x35: {  	[hbm4b:s15+s2] =	stream.linear.scatter [tilespmem:s8], [sflag:$0x1], $0x8000, $0x38;
	[tilespmem:$0x10100] =	vst v63  }
0x36: {  	_ =	swait.ge @!p0 [sflag:s13], $0x8000  }
0x37: {  	[sflag:s13] =	ssyncset.done @!p0 $0x0  }
0x38: {  	[sflag:s13] =	ssyncadd.s32 @!p0 $0xFFFF8000  }
0x39: {  	v4 =	vld @!p0 [tilespmem:$0x80]  }
0x3a: {  	v5 =	vld @!p0 [tilespmem:$0x90];
	_ =	sdelay $0x3  }
0x3b: {  	v6 =	vshll.u32 @!p0 v4, $0x3  }
0x3c: {  	v4 =	vand.u32 @!p0 $0x7F, v4;
	v7 =	vshll.u32 @!p0 v5, $0x3;
	v6 =	vand.u32 @!p0 $0xFFFFFC00, v6  }
0x3d: {  	v5 =	vand.u32 @!p0 $0x7F, v5;
	v4 =	vor.u32 @!p0 v4, v6;
	v6 =	vand.u32 @!p0 $0xFFFFFC00, v7  }
0x3e: {  	v4 =	vadd.s32 @!p0 v0, v4;
	v5 =	vor.u32 @!p0 v5, v6  }
0x3f: {  	v5 =	vadd.s32 @!p0 v2, v5;
	_ =	sdelay $0x1  }
0x40: {  	s29 =	sadd.s32 $0x10, s16  }
0x41: {  	s30 =	sadd.s32 s7, s29;
	s17 =	sand.u32 $0x70, s29  }
0x42: {  	s18 =	sand.u32 $0xFF80, s30;
	s17 =	sadd.s32 s0, s17;
	[tilespmem:v4+s10+$0x0] =	vst.idx.msk @!p0 $0xffff, v3  }
0x43: {  	s17 =	sadd.s32 s18, s17;
	[tilespmem:v5+s10+$0x0] =	vst.idx.msk @!p0 $0x3ff, v3  }
0x44: {  	[tilespmem:s11], [sflag:$0x3] =	stream.linear.gather [hbm4b:s17+s2], $0x80, $0x38;
	[tilespmem:$0x10100] =	vst v63  }
0x45: {  	_ =	swait.ge [sflag:s9], $0x80  }
0x46: {  	[sflag:s9] =	ssyncset.done $0x0  }
0x47: {  	[sflag:s9] =	ssyncadd.s32 $0xFFFFFF80  }
0x48: {  	v4 =	vld [tilespmem:$0x80]  }
0x49: {  	v5 =	vld [tilespmem:$0x90];
	_ =	sdelay $0x3  }
0x4a: {  	v61 =	vshll.u32 v4, $0x3  }
0x4b: {  	v4 =	vand.u32 $0x7F, v4;
	v62 =	vshll.u32 v5, $0x3;
	v6 =	vand.u32 $0xFFFFFC00, v61  }
0x4c: {  	v5 =	vand.u32 $0x7F, v5;
	v63 =	vand.u32 $0xFFFFFC00, v62;
	v4 =	vor.u32 v4, v6  }
0x4d: {  	v5 =	vor.u32 v5, v63;
	v4 =	vadd.s32 v0, v4  }
0x4e: {  	s16 =	sadd.s32 $0x20, s16;
	v5 =	vadd.s32 v2, v5  }
0x4f: {  	p0 =	sne.s32 s16, $0x800  }
.Ltmp0:
0x50: {  	_ = 	snop;
	(pc) =	sbr.rel @p0 .LBB2_2-.Ltmp0, $4  }
0x51: {  	_ = 	snop  }
0x52: {  	[tilespmem:v4+s10+$0x0] =	vst.idx.msk $0xffff, v1  }
0x53: {  	s31 =	sadd.s32 $0x1000, s15;
	s15 =	sadd.s32 $0x2000, s15;
	[tilespmem:v5+s10+$0x0] =	vst.idx.msk $0x3ff, v1  }
0x54: {  	[hbm4b:s31+s2] =	stream.linear.scatter [tilespmem:s10], [sflag:$0x2], $0x8000, $0x38;
	[tilespmem:$0x10100] =	vst v63  }
0x55: {  	s14 =	sadd.s32 $0x1, s14  }
0x56: {  	_ =	swait.ge [sflag:s12], $0x8000;
	p0 =	sne.s32 s14, s5  }
.Ltmp1:
0x57: {  	[sflag:s12] =	ssyncset.done $0x0;
	(pc) =	sbr.rel @p0 .LBB2_1-.Ltmp1, $4  }
0x58: {  	[sflag:s12] =	ssyncadd.s32 $0xFFFF8000  }
0x59: {  	_ =	swait.ge [sflag:s13], $0x8000  }
0x5a: {  	[sflag:s13] =	ssyncset.done $0x0  }
0x5b: {  	[sflag:s13] =	ssyncadd.s32 $0xFFFF8000  }
0x5c: {  	_ =	sfence.sel $0x180000  }
0x5d: {  	[bflag:$0x0] =	sbarrier.arrive $0xFFFF  }
0x5e: {  	p0 =	sne.s32 s3, $0x0;
	_ =	strace $0x90000047  }
0x5f: {  	s0 =	sadd.s32 @!p0 $0x100000, s1;
	[bflag:$0x2] =	sbarrier.arrive $0xFFFF  }
0x60: {  	[sflag:s0] =	ssyncadd.tile.s32 @!p0 $0x1;
	_ =	shalt  }
.Lfunc_end2:
_tile_overlayer_lowered:
.L_overlay_start_2:
0x61: {  	(tag) =	ssettag $0x2  }
0x62: {  	s0 =	rddreg [dreg:$0x0];
	s2 =	stileid.u32  }
0x63: {  	s1 =	rddreg [dreg:$0x1];
	p0 =	sne.s32 s2, $0x0  }
0x64: {  	s3 =	rddreg [dreg:$0x2];
	[bflag:$0x3] =	sbarrier.arrive $0xFFFF;
	s2 =	simm.s32 @!p0 $0x1C03  }
0x65: {  	[timem:s3], [sflag:s2] =	dma.local @!p0 [hbm:s0], s1  }
0x66: {  	s0 =	simm.s32 @!p0 $0x3  }
0x67: {  	_ =	swait.ge @!p0 [sflag:s0], s1  }
0x68: {  	s1 =	ssub.s32 @!p0 $0x0, s1;
	[sflag:s0] =	ssyncset.done @!p0 $0x0  }
0x69: {  	[sflag:s0] =	ssyncadd.s32 @!p0 s1  }
0x6a: {  	[bflag:$0x3] =	sbarrier.arrive $0xFFFF  }
0x6b: {  	_ =	shalt  }

</sc_bundles>
